<compile_context>
chip_gen: v7x
topology: tpu7x:2x2x1
jax: 0.10.2.dev20260603
libtpu: 0.0.44.dev20260713+nightly
codegen_flags: <defaults>
</compile_context>

<pallas_src>
import functools

import jax
import jax.numpy as jnp
from jax import lax
from jax.experimental import pallas as pl
from jax.experimental.pallas import tpu as pltpu
from jax.experimental.pallas import tpu_sc as plsc

EMB = 64
HIST = 200
ROW = HIST * EMB
BATCH = 16384
RPC = 64
NC = 2
NS = 16
NW = NC * NS
RPW = BATCH // NW
NCOPIES = RPW // RPC

_mesh = plsc.VectorSubcoreMesh(core_axis_name="c", subcore_axis_name="s")


@functools.partial(
    pl.kernel,
    mesh=_mesh,
    out_type=jax.ShapeDtypeStruct((BATCH, ROW), jnp.float32),
    scratch_types=[
        pltpu.VMEM_SHARED((RPC, ROW), jnp.float32),
        pltpu.SemaphoreType.DMA,
    ],
)
def _sc_fill(tile_hbm, out_hbm, shared, sem):
    sid = lax.axis_index("s")

    @pl.when(sid == 0)
    def _():
        pltpu.sync_copy(tile_hbm, shared)

    plsc.subcore_barrier()

    wid = sid * NC + lax.axis_index("c")
    base = wid * RPW

    def copy(i):
        return pltpu.async_copy(
            shared, out_hbm.at[pl.ds(base + i * RPC, RPC)], sem
        )

    for i in range(NCOPIES):
        copy(i).start()
    for i in range(NCOPIES):
        copy(i).wait()


def kernel(sequence, param):
    tile = jnp.broadcast_to(jnp.tile(param, HIST), (RPC, ROW))
    out = _sc_fill(tile)
    return out.reshape(BATCH, HIST, EMB)

# --- scband reference (transcript-rebuilt; emitter-appended) ---
"""Pipeline reference for scband-zeros-embedder-22505628631458 (READ-ONLY COPY).

The authoritative reference and input builder live on the scoring server;
editing this copy changes nothing except your own understanding.
"""

import jax, jax.numpy as jnp
import numpy as np

EMB_DIM = 64
BATCH = 16384
HIST_LEN = 200
VOCAB = 100000

def setup_inputs(seed: int = 0) -> dict:
    key = jax.random.key(seed)
    k1, = jax.random.split(key, 1)
    sequence = jax.random.randint(k1, (BATCH, HIST_LEN), 0, VOCAB, dtype=jnp.int64 if jax.config.jax_enable_x64 else jnp.int32)
    param = jnp.zeros((EMB_DIM,), dtype=jnp.float32)  # registered buffer torch.zeros(emb_dim)
    return {"sequence": sequence, "param": param}

def reference(sequence, param):
    # torch: self.param[None, :][torch.zeros_like(sequence)]
    # param[None, :] has shape [1, emb_dim]; indexing with zeros_like(sequence)
    # (int tensor of shape [B, L]) gathers row 0 for every position,
    # yielding shape [B, L, emb_dim] (all zeros given the zero buffer).
    table = param[None, :]
    idx = jnp.zeros_like(sequence)
    return jnp.take(table, idx, axis=0)

if __name__ == "__main__":
    import jax
    _d = setup_inputs()
    print(jax.jit(kernel)(*tuple(_d.values())))

</pallas_src>

<mosaic_0001>
#map = affine_map<(d0, d1) -> (0, 0)>
module attributes {stable_mosaic.version = 14 : i64} {
  func.func @_sc_fill(%arg0: i32, %arg1: i32, %arg2: memref<64x12800xf32, #tpu.memory_space<hbm>>, %arg3: memref<16384x12800xf32, #tpu.memory_space<hbm>>, %arg4: memref<64x12800xf32, #tpu.memory_space<vmem_shared>>, %arg5: memref<!tpu.dma_semaphore, #tpu.memory_space<semaphore_mem>>) attributes {dimension_semantics = [#tpu.dimension_semantics<core_parallel>, #tpu.dimension_semantics<subcore_parallel>], iteration_bounds = array<i64: 2, 16>, scalar_prefetch = 0 : i64, scratch_operands = 2 : i64, tpu.core_type = #tpu.core_type<sc_vector_subcore>, window_params = [{transform_indices = #map}, {transform_indices = #map}]} {
    %eq3A = arith.constant 0 : i32
    %eq3A_0 = arith.cmpi eq, %arg1, %eq3A : i32
    %convert_element_type3A = arith.extui %eq3A_0 : i1 to i32
    %cond3A = arith.constant 0 : i32
    %cond3A_1 = arith.cmpi ne, %convert_element_type3A, %cond3A : i32
    scf.if %cond3A_1 {
      "tpu.region"() ({
        %run_scoped3A = tpu.sem_alloc : memref<!tpu.dma_semaphore, #tpu.memory_space<semaphore_mem>>
        tpu.enqueue_dma source(%arg2 : memref<64x12800xf32, #tpu.memory_space<hbm>>) target(%arg4 : memref<64x12800xf32, #tpu.memory_space<vmem_shared>>) target_semaphore(%run_scoped3A : memref<!tpu.dma_semaphore, #tpu.memory_space<semaphore_mem>>)
        tpu.wait_dma2 semaphore(%run_scoped3A : memref<!tpu.dma_semaphore, #tpu.memory_space<semaphore_mem>>) src(%arg2 : memref<64x12800xf32, #tpu.memory_space<hbm>>) dst(%arg4 : memref<64x12800xf32, #tpu.memory_space<vmem_shared>>)
        tpu.yield
      }) : () -> ()
    } else {
    }
    %barrier3A = arith.constant 0 : index
    tpu.barrier barrier_id(%barrier3A)
    %mul3A = arith.constant 2 : i32
    %mul3A_2 = arith.muli %arg1, %mul3A : i32
    %add3A = arith.addi %mul3A_2, %arg0 : i32
    %mul3A_3 = arith.constant 512 : i32
    %mul3A_4 = arith.muli %add3A, %mul3A_3 : i32
    %add3A_5 = arith.constant 0 : i32
    %add3A_6 = arith.addi %mul3A_4, %add3A_5 : i32
    %dma_start3A = arith.constant 0 : i32
    %dma_start3A_7 = tpu.memref_slice %arg3[%add3A_6, %dma_start3A] : memref<16384x12800xf32, #tpu.memory_space<hbm>> -> memref<64x12800xf32, #tpu.memory_space<hbm>>
    tpu.enqueue_dma source(%arg4 : memref<64x12800xf32, #tpu.memory_space<vmem_shared>>) target(%dma_start3A_7 : memref<64x12800xf32, #tpu.memory_space<hbm>>) target_semaphore(%arg5 : memref<!tpu.dma_semaphore, #tpu.memory_space<semaphore_mem>>)
    %dma_start3A_8 = arith.constant 0 : i32
    %dma_start3A_9 = tpu.memref_slice %arg3[%add3A_6, %dma_start3A_8] : memref<16384x12800xf32, #tpu.memory_space<hbm>> -> memref<64x12800xf32, #tpu.memory_space<hbm>>
    tpu.enqueue_dma source(%arg4 : memref<64x12800xf32, #tpu.memory_space<vmem_shared>>) target(%dma_start3A_9 : memref<64x12800xf32, #tpu.memory_space<hbm>>) target_semaphore(%arg5 : memref<!tpu.dma_semaphore, #tpu.memory_space<semaphore_mem>>)
    %add3A_10 = arith.constant 64 : i32
    %add3A_11 = arith.addi %mul3A_4, %add3A_10 : i32
    %dma_start3A_12 = arith.constant 0 : i32
    %dma_start3A_13 = tpu.memref_slice %arg3[%add3A_11, %dma_start3A_12] : memref<16384x12800xf32, #tpu.memory_space<hbm>> -> memref<64x12800xf32, #tpu.memory_space<hbm>>
    tpu.enqueue_dma source(%arg4 : memref<64x12800xf32, #tpu.memory_space<vmem_shared>>) target(%dma_start3A_13 : memref<64x12800xf32, #tpu.memory_space<hbm>>) target_semaphore(%arg5 : memref<!tpu.dma_semaphore, #tpu.memory_space<semaphore_mem>>)
    %dma_start3A_14 = arith.constant 0 : i32
    %dma_start3A_15 = tpu.memref_slice %arg3[%add3A_11, %dma_start3A_14] : memref<16384x12800xf32, #tpu.memory_space<hbm>> -> memref<64x12800xf32, #tpu.memory_space<hbm>>
    tpu.enqueue_dma source(%arg4 : memref<64x12800xf32, #tpu.memory_space<vmem_shared>>) target(%dma_start3A_15 : memref<64x12800xf32, #tpu.memory_space<hbm>>) target_semaphore(%arg5 : memref<!tpu.dma_semaphore, #tpu.memory_space<semaphore_mem>>)
    %add3A_16 = arith.constant 128 : i32
    %add3A_17 = arith.addi %mul3A_4, %add3A_16 : i32
    %dma_start3A_18 = arith.constant 0 : i32
    %dma_start3A_19 = tpu.memref_slice %arg3[%add3A_17, %dma_start3A_18] : memref<16384x12800xf32, #tpu.memory_space<hbm>> -> memref<64x12800xf32, #tpu.memory_space<hbm>>
    tpu.enqueue_dma source(%arg4 : memref<64x12800xf32, #tpu.memory_space<vmem_shared>>) target(%dma_start3A_19 : memref<64x12800xf32, #tpu.memory_space<hbm>>) target_semaphore(%arg5 : memref<!tpu.dma_semaphore, #tpu.memory_space<semaphore_mem>>)
    %dma_start3A_20 = arith.constant 0 : i32
    %dma_start3A_21 = tpu.memref_slice %arg3[%add3A_17, %dma_start3A_20] : memref<16384x12800xf32, #tpu.memory_space<hbm>> -> memref<64x12800xf32, #tpu.memory_space<hbm>>
    tpu.enqueue_dma source(%arg4 : memref<64x12800xf32, #tpu.memory_space<vmem_shared>>) target(%dma_start3A_21 : memref<64x12800xf32, #tpu.memory_space<hbm>>) target_semaphore(%arg5 : memref<!tpu.dma_semaphore, #tpu.memory_space<semaphore_mem>>)
    %add3A_22 = arith.constant 192 : i32
    %add3A_23 = arith.addi %mul3A_4, %add3A_22 : i32
    %dma_start3A_24 = arith.constant 0 : i32
    %dma_start3A_25 = tpu.memref_slice %arg3[%add3A_23, %dma_start3A_24] : memref<16384x12800xf32, #tpu.memory_space<hbm>> -> memref<64x12800xf32, #tpu.memory_space<hbm>>
    tpu.enqueue_dma source(%arg4 : memref<64x12800xf32, #tpu.memory_space<vmem_shared>>) target(%dma_start3A_25 : memref<64x12800xf32, #tpu.memory_space<hbm>>) target_semaphore(%arg5 : memref<!tpu.dma_semaphore, #tpu.memory_space<semaphore_mem>>)
    %dma_start3A_26 = arith.constant 0 : i32
    %dma_start3A_27 = tpu.memref_slice %arg3[%add3A_23, %dma_start3A_26] : memref<16384x12800xf32, #tpu.memory_space<hbm>> -> memref<64x12800xf32, #tpu.memory_space<hbm>>
    tpu.enqueue_dma source(%arg4 : memref<64x12800xf32, #tpu.memory_space<vmem_shared>>) target(%dma_start3A_27 : memref<64x12800xf32, #tpu.memory_space<hbm>>) target_semaphore(%arg5 : memref<!tpu.dma_semaphore, #tpu.memory_space<semaphore_mem>>)
    %add3A_28 = arith.constant 256 : i32
    %add3A_29 = arith.addi %mul3A_4, %add3A_28 : i32
    %dma_start3A_30 = arith.constant 0 : i32
    %dma_start3A_31 = tpu.memref_slice %arg3[%add3A_29, %dma_start3A_30] : memref<16384x12800xf32, #tpu.memory_space<hbm>> -> memref<64x12800xf32, #tpu.memory_space<hbm>>
    tpu.enqueue_dma source(%arg4 : memref<64x12800xf32, #tpu.memory_space<vmem_shared>>) target(%dma_start3A_31 : memref<64x12800xf32, #tpu.memory_space<hbm>>) target_semaphore(%arg5 : memref<!tpu.dma_semaphore, #tpu.memory_space<semaphore_mem>>)
    %dma_start3A_32 = arith.constant 0 : i32
    %dma_start3A_33 = tpu.memref_slice %arg3[%add3A_29, %dma_start3A_32] : memref<16384x12800xf32, #tpu.memory_space<hbm>> -> memref<64x12800xf32, #tpu.memory_space<hbm>>
    tpu.enqueue_dma source(%arg4 : memref<64x12800xf32, #tpu.memory_space<vmem_shared>>) target(%dma_start3A_33 : memref<64x12800xf32, #tpu.memory_space<hbm>>) target_semaphore(%arg5 : memref<!tpu.dma_semaphore, #tpu.memory_space<semaphore_mem>>)
    %add3A_34 = arith.constant 320 : i32
    %add3A_35 = arith.addi %mul3A_4, %add3A_34 : i32
    %dma_start3A_36 = arith.constant 0 : i32
    %dma_start3A_37 = tpu.memref_slice %arg3[%add3A_35, %dma_start3A_36] : memref<16384x12800xf32, #tpu.memory_space<hbm>> -> memref<64x12800xf32, #tpu.memory_space<hbm>>
    tpu.enqueue_dma source(%arg4 : memref<64x12800xf32, #tpu.memory_space<vmem_shared>>) target(%dma_start3A_37 : memref<64x12800xf32, #tpu.memory_space<hbm>>) target_semaphore(%arg5 : memref<!tpu.dma_semaphore, #tpu.memory_space<semaphore_mem>>)
    %dma_start3A_38 = arith.constant 0 : i32
    %dma_start3A_39 = tpu.memref_slice %arg3[%add3A_35, %dma_start3A_38] : memref<16384x12800xf32, #tpu.memory_space<hbm>> -> memref<64x12800xf32, #tpu.memory_space<hbm>>
    tpu.enqueue_dma source(%arg4 : memref<64x12800xf32, #tpu.memory_space<vmem_shared>>) target(%dma_start3A_39 : memref<64x12800xf32, #tpu.memory_space<hbm>>) target_semaphore(%arg5 : memref<!tpu.dma_semaphore, #tpu.memory_space<semaphore_mem>>)
    %add3A_40 = arith.constant 384 : i32
    %add3A_41 = arith.addi %mul3A_4, %add3A_40 : i32
    %dma_start3A_42 = arith.constant 0 : i32
    %dma_start3A_43 = tpu.memref_slice %arg3[%add3A_41, %dma_start3A_42] : memref<16384x12800xf32, #tpu.memory_space<hbm>> -> memref<64x12800xf32, #tpu.memory_space<hbm>>
    tpu.enqueue_dma source(%arg4 : memref<64x12800xf32, #tpu.memory_space<vmem_shared>>) target(%dma_start3A_43 : memref<64x12800xf32, #tpu.memory_space<hbm>>) target_semaphore(%arg5 : memref<!tpu.dma_semaphore, #tpu.memory_space<semaphore_mem>>)
    %dma_start3A_44 = arith.constant 0 : i32
    %dma_start3A_45 = tpu.memref_slice %arg3[%add3A_41, %dma_start3A_44] : memref<16384x12800xf32, #tpu.memory_space<hbm>> -> memref<64x12800xf32, #tpu.memory_space<hbm>>
    tpu.enqueue_dma source(%arg4 : memref<64x12800xf32, #tpu.memory_space<vmem_shared>>) target(%dma_start3A_45 : memref<64x12800xf32, #tpu.memory_space<hbm>>) target_semaphore(%arg5 : memref<!tpu.dma_semaphore, #tpu.memory_space<semaphore_mem>>)
    %add3A_46 = arith.constant 448 : i32
    %add3A_47 = arith.addi %mul3A_4, %add3A_46 : i32
    %dma_start3A_48 = arith.constant 0 : i32
    %dma_start3A_49 = tpu.memref_slice %arg3[%add3A_47, %dma_start3A_48] : memref<16384x12800xf32, #tpu.memory_space<hbm>> -> memref<64x12800xf32, #tpu.memory_space<hbm>>
    tpu.enqueue_dma source(%arg4 : memref<64x12800xf32, #tpu.memory_space<vmem_shared>>) target(%dma_start3A_49 : memref<64x12800xf32, #tpu.memory_space<hbm>>) target_semaphore(%arg5 : memref<!tpu.dma_semaphore, #tpu.memory_space<semaphore_mem>>)
    %dma_start3A_50 = arith.constant 0 : i32
    %dma_start3A_51 = tpu.memref_slice %arg3[%add3A_47, %dma_start3A_50] : memref<16384x12800xf32, #tpu.memory_space<hbm>> -> memref<64x12800xf32, #tpu.memory_space<hbm>>
    tpu.enqueue_dma source(%arg4 : memref<64x12800xf32, #tpu.memory_space<vmem_shared>>) target(%dma_start3A_51 : memref<64x12800xf32, #tpu.memory_space<hbm>>) target_semaphore(%arg5 : memref<!tpu.dma_semaphore, #tpu.memory_space<semaphore_mem>>)
    %add3A_52 = arith.constant 0 : i32
    %add3A_53 = arith.addi %mul3A_4, %add3A_52 : i32
    %dma_start3A_54 = arith.constant 0 : i32
    %dma_start3A_55 = tpu.memref_slice %arg3[%add3A_53, %dma_start3A_54] : memref<16384x12800xf32, #tpu.memory_space<hbm>> -> memref<64x12800xf32, #tpu.memory_space<hbm>>
    tpu.enqueue_dma source(%arg4 : memref<64x12800xf32, #tpu.memory_space<vmem_shared>>) target(%dma_start3A_55 : memref<64x12800xf32, #tpu.memory_space<hbm>>) target_semaphore(%arg5 : memref<!tpu.dma_semaphore, #tpu.memory_space<semaphore_mem>>)
    %dma_wait3A = arith.constant 0 : i32
    %dma_wait3A_56 = tpu.memref_slice %arg3[%add3A_53, %dma_wait3A] : memref<16384x12800xf32, #tpu.memory_space<hbm>> -> memref<64x12800xf32, #tpu.memory_space<hbm>>
    tpu.wait_dma2 semaphore(%arg5 : memref<!tpu.dma_semaphore, #tpu.memory_space<semaphore_mem>>) src(%arg4 : memref<64x12800xf32, #tpu.memory_space<vmem_shared>>) dst(%dma_wait3A_56 : memref<64x12800xf32, #tpu.memory_space<hbm>>)
    %add3A_57 = arith.constant 64 : i32
    %add3A_58 = arith.addi %mul3A_4, %add3A_57 : i32
    %dma_start3A_59 = arith.constant 0 : i32
    %dma_start3A_60 = tpu.memref_slice %arg3[%add3A_58, %dma_start3A_59] : memref<16384x12800xf32, #tpu.memory_space<hbm>> -> memref<64x12800xf32, #tpu.memory_space<hbm>>
    tpu.enqueue_dma source(%arg4 : memref<64x12800xf32, #tpu.memory_space<vmem_shared>>) target(%dma_start3A_60 : memref<64x12800xf32, #tpu.memory_space<hbm>>) target_semaphore(%arg5 : memref<!tpu.dma_semaphore, #tpu.memory_space<semaphore_mem>>)
    %dma_wait3A_61 = arith.constant 0 : i32
    %dma_wait3A_62 = tpu.memref_slice %arg3[%add3A_58, %dma_wait3A_61] : memref<16384x12800xf32, #tpu.memory_space<hbm>> -> memref<64x12800xf32, #tpu.memory_space<hbm>>
    tpu.wait_dma2 semaphore(%arg5 : memref<!tpu.dma_semaphore, #tpu.memory_space<semaphore_mem>>) src(%arg4 : memref<64x12800xf32, #tpu.memory_space<vmem_shared>>) dst(%dma_wait3A_62 : memref<64x12800xf32, #tpu.memory_space<hbm>>)
    %add3A_63 = arith.constant 128 : i32
    %add3A_64 = arith.addi %mul3A_4, %add3A_63 : i32
    %dma_start3A_65 = arith.constant 0 : i32
    %dma_start3A_66 = tpu.memref_slice %arg3[%add3A_64, %dma_start3A_65] : memref<16384x12800xf32, #tpu.memory_space<hbm>> -> memref<64x12800xf32, #tpu.memory_space<hbm>>
    tpu.enqueue_dma source(%arg4 : memref<64x12800xf32, #tpu.memory_space<vmem_shared>>) target(%dma_start3A_66 : memref<64x12800xf32, #tpu.memory_space<hbm>>) target_semaphore(%arg5 : memref<!tpu.dma_semaphore, #tpu.memory_space<semaphore_mem>>)
    %dma_wait3A_67 = arith.constant 0 : i32
    %dma_wait3A_68 = tpu.memref_slice %arg3[%add3A_64, %dma_wait3A_67] : memref<16384x12800xf32, #tpu.memory_space<hbm>> -> memref<64x12800xf32, #tpu.memory_space<hbm>>
    tpu.wait_dma2 semaphore(%arg5 : memref<!tpu.dma_semaphore, #tpu.memory_space<semaphore_mem>>) src(%arg4 : memref<64x12800xf32, #tpu.memory_space<vmem_shared>>) dst(%dma_wait3A_68 : memref<64x12800xf32, #tpu.memory_space<hbm>>)
    %add3A_69 = arith.constant 192 : i32
    %add3A_70 = arith.addi %mul3A_4, %add3A_69 : i32
    %dma_start3A_71 = arith.constant 0 : i32
    %dma_start3A_72 = tpu.memref_slice %arg3[%add3A_70, %dma_start3A_71] : memref<16384x12800xf32, #tpu.memory_space<hbm>> -> memref<64x12800xf32, #tpu.memory_space<hbm>>
    tpu.enqueue_dma source(%arg4 : memref<64x12800xf32, #tpu.memory_space<vmem_shared>>) target(%dma_start3A_72 : memref<64x12800xf32, #tpu.memory_space<hbm>>) target_semaphore(%arg5 : memref<!tpu.dma_semaphore, #tpu.memory_space<semaphore_mem>>)
    %dma_wait3A_73 = arith.constant 0 : i32
    %dma_wait3A_74 = tpu.memref_slice %arg3[%add3A_70, %dma_wait3A_73] : memref<16384x12800xf32, #tpu.memory_space<hbm>> -> memref<64x12800xf32, #tpu.memory_space<hbm>>
    tpu.wait_dma2 semaphore(%arg5 : memref<!tpu.dma_semaphore, #tpu.memory_space<semaphore_mem>>) src(%arg4 : memref<64x12800xf32, #tpu.memory_space<vmem_shared>>) dst(%dma_wait3A_74 : memref<64x12800xf32, #tpu.memory_space<hbm>>)
    %add3A_75 = arith.constant 256 : i32
    %add3A_76 = arith.addi %mul3A_4, %add3A_75 : i32
    %dma_start3A_77 = arith.constant 0 : i32
    %dma_start3A_78 = tpu.memref_slice %arg3[%add3A_76, %dma_start3A_77] : memref<16384x12800xf32, #tpu.memory_space<hbm>> -> memref<64x12800xf32, #tpu.memory_space<hbm>>
    tpu.enqueue_dma source(%arg4 : memref<64x12800xf32, #tpu.memory_space<vmem_shared>>) target(%dma_start3A_78 : memref<64x12800xf32, #tpu.memory_space<hbm>>) target_semaphore(%arg5 : memref<!tpu.dma_semaphore, #tpu.memory_space<semaphore_mem>>)
    %dma_wait3A_79 = arith.constant 0 : i32
    %dma_wait3A_80 = tpu.memref_slice %arg3[%add3A_76, %dma_wait3A_79] : memref<16384x12800xf32, #tpu.memory_space<hbm>> -> memref<64x12800xf32, #tpu.memory_space<hbm>>
    tpu.wait_dma2 semaphore(%arg5 : memref<!tpu.dma_semaphore, #tpu.memory_space<semaphore_mem>>) src(%arg4 : memref<64x12800xf32, #tpu.memory_space<vmem_shared>>) dst(%dma_wait3A_80 : memref<64x12800xf32, #tpu.memory_space<hbm>>)
    %add3A_81 = arith.constant 320 : i32
    %add3A_82 = arith.addi %mul3A_4, %add3A_81 : i32
    %dma_start3A_83 = arith.constant 0 : i32
    %dma_start3A_84 = tpu.memref_slice %arg3[%add3A_82, %dma_start3A_83] : memref<16384x12800xf32, #tpu.memory_space<hbm>> -> memref<64x12800xf32, #tpu.memory_space<hbm>>
    tpu.enqueue_dma source(%arg4 : memref<64x12800xf32, #tpu.memory_space<vmem_shared>>) target(%dma_start3A_84 : memref<64x12800xf32, #tpu.memory_space<hbm>>) target_semaphore(%arg5 : memref<!tpu.dma_semaphore, #tpu.memory_space<semaphore_mem>>)
    %dma_wait3A_85 = arith.constant 0 : i32
    %dma_wait3A_86 = tpu.memref_slice %arg3[%add3A_82, %dma_wait3A_85] : memref<16384x12800xf32, #tpu.memory_space<hbm>> -> memref<64x12800xf32, #tpu.memory_space<hbm>>
    tpu.wait_dma2 semaphore(%arg5 : memref<!tpu.dma_semaphore, #tpu.memory_space<semaphore_mem>>) src(%arg4 : memref<64x12800xf32, #tpu.memory_space<vmem_shared>>) dst(%dma_wait3A_86 : memref<64x12800xf32, #tpu.memory_space<hbm>>)
    %add3A_87 = arith.constant 384 : i32
    %add3A_88 = arith.addi %mul3A_4, %add3A_87 : i32
    %dma_start3A_89 = arith.constant 0 : i32
    %dma_start3A_90 = tpu.memref_slice %arg3[%add3A_88, %dma_start3A_89] : memref<16384x12800xf32, #tpu.memory_space<hbm>> -> memref<64x12800xf32, #tpu.memory_space<hbm>>
    tpu.enqueue_dma source(%arg4 : memref<64x12800xf32, #tpu.memory_space<vmem_shared>>) target(%dma_start3A_90 : memref<64x12800xf32, #tpu.memory_space<hbm>>) target_semaphore(%arg5 : memref<!tpu.dma_semaphore, #tpu.memory_space<semaphore_mem>>)
    %dma_wait3A_91 = arith.constant 0 : i32
    %dma_wait3A_92 = tpu.memref_slice %arg3[%add3A_88, %dma_wait3A_91] : memref<16384x12800xf32, #tpu.memory_space<hbm>> -> memref<64x12800xf32, #tpu.memory_space<hbm>>
    tpu.wait_dma2 semaphore(%arg5 : memref<!tpu.dma_semaphore, #tpu.memory_space<semaphore_mem>>) src(%arg4 : memref<64x12800xf32, #tpu.memory_space<vmem_shared>>) dst(%dma_wait3A_92 : memref<64x12800xf32, #tpu.memory_space<hbm>>)
    %add3A_93 = arith.constant 448 : i32
    %add3A_94 = arith.addi %mul3A_4, %add3A_93 : i32
    %dma_start3A_95 = arith.constant 0 : i32
    %dma_start3A_96 = tpu.memref_slice %arg3[%add3A_94, %dma_start3A_95] : memref<16384x12800xf32, #tpu.memory_space<hbm>> -> memref<64x12800xf32, #tpu.memory_space<hbm>>
    tpu.enqueue_dma source(%arg4 : memref<64x12800xf32, #tpu.memory_space<vmem_shared>>) target(%dma_start3A_96 : memref<64x12800xf32, #tpu.memory_space<hbm>>) target_semaphore(%arg5 : memref<!tpu.dma_semaphore, #tpu.memory_space<semaphore_mem>>)
    %dma_wait3A_97 = arith.constant 0 : i32
    %dma_wait3A_98 = tpu.memref_slice %arg3[%add3A_94, %dma_wait3A_97] : memref<16384x12800xf32, #tpu.memory_space<hbm>> -> memref<64x12800xf32, #tpu.memory_space<hbm>>
    tpu.wait_dma2 semaphore(%arg5 : memref<!tpu.dma_semaphore, #tpu.memory_space<semaphore_mem>>) src(%arg4 : memref<64x12800xf32, #tpu.memory_space<vmem_shared>>) dst(%dma_wait3A_98 : memref<64x12800xf32, #tpu.memory_space<hbm>>)
    return
  }
}

</mosaic_0001>

<sc_bundles>
// kernel: kernel.3.cloned.1.call-start
scs
__scs_entry_jumppad:
0x0: {  	(pc) =	sbr.rel $0x88, $3  }
0x1: {  	(tag) =	ssettag $0x0;
	lr =	simm.s32 $0x1  }
0x2: {  	[smem:$0x3FA0] =	sst lr;
	_ =	strace $0xD0000000  }
0x3: {  	_ = 	snop  }
0x4: {  	_ = 	snop  }
0x5: {  	_ = 	snop  }
0x6: {  	_ = 	snop  }
0x7: {  	_ = 	snop  }
__scs_overlays_trampoline_lowered:
0x8: {  	[smem:$0x3FAF] =	sst s0  }
0x9: {  	[smem:$0x3FB0] =	sst s1  }
0xa: {  	[smem:$0x3FB1] =	sst s2  }
0xb: {  	[smem:$0x3FB2] =	sst s3  }
0xc: {  	[smem:$0x3FB3] =	sst s4  }
0xd: {  	[smem:$0x3FB4] =	sst s5  }
0xe: {  	[smem:$0x3FB5] =	sst s6  }
0xf: {  	[smem:$0x3FB6] =	sst s7  }
0x10: {  	[smem:$0x3FB7] =	sst s8  }
0x11: {  	[smem:$0x3FB8] =	sst s9;
	s0 =	simm.s32 @!p0 $0x0  }
0x12: {  	s1 =	sld [smem:$0x3F9E];
	s0 =	simm.s32 @p0 $0x1  }
0x13: {  	[smem:$0x3FB9] =	sst s0;
	s0 =	simm.s32 @!p1 $0x0  }
0x14: {  	s2 =	sld [smem:$0x3F9D];
	s0 =	simm.s32 @p1 $0x1  }
0x15: {  	[smem:$0x3FBA] =	sst s0;
	s0 =	simm.s32 @!p2 $0x0  }
0x16: {  	s3 =	sld [smem:$0x3FDB];
	s0 =	simm.s32 @p2 $0x1  }
0x17: {  	s4 =	simm.s32 $0x1BF5;
	[smem:$0x3FBC] =	sst s0  }
0x18: {  	s0 =	sld [smem:$0x3F9F];
	_ =	swait.ge [sflag:s4], $0x0  }
0x19: {  	s7 =	sld [smem:$0x3FA0]  }
0x1a: {  	s8 =	sadd.s32 $0xFFFFE003, lr  }
0x1b: {  	s9 =	sadd.s32 $0xFFFFFEF7, lr;
	s5 =	simm.s32 $0xFFFFFFFF;
	p2 =	slt.u32 s8, $0xFFFFF086  }
0x1c: {  	p1 =	slt.u32 s9, $0xF7A;
	s5 =	simm.s32 @!p2 $0x0  }
0x1d: {  	s5 =	simm.s32 @p1 $0x1;
	p0 =	seq.s32 s7, s2  }
0x1e: {  	s7 =	smul.u32 @!p0 $0xF7A, s2;
	p2 =	seq.s32 @!p0 s5, $0x0  }
0x1f: {  	s9 =	smul.u32 $0xF7A, s1;
	s8 =	simm.s32 @!p0 $0x1BF5;
	p2 =	por !p2, p0  }
0x20: {  	[sflag:s8] =	ssyncset.s32 @!p0 $0xFFFFF086;
	s6 =	sadd.s32 @!p0 s3, s7;
	s7 =	simm.s32 @!p0 $0x108  }
0x21: {  	s3 =	sadd.s32 s3, s9;
	s6 =	sadd.s32 @!p0 $0x88, s6;
	s7 =	simm.s32 @p2 $0x1082  }
0x22: {  	[simem:s7], [sflag:s8] =	dma.local @!p0 [hbm:s6], $0xF7A  }
0x23: {  	s9 =	sor.u32 $0xD0000000, s2;
	s6 =	simm.s32 $0x108;
	_ =	swait.ge @!p0 [sflag:s8], $0x0  }
0x24: {  	s3 =	sadd.s32 $0x88, s3;
	s6 =	simm.s32 @!p1 $0x1082;
	[sflag:s4] =	ssyncset.s32 $0xFFFFF086  }
0x25: {  	[simem:s6], [sflag:s4] =	dma.local [hbm:s3], $0xF7A  }
0x26: {  	[smem:$0x3FA0] =	sst s1;
	(tag) =	ssettag s2;
	_ =	strace s9  }
0x27: {  	s1 =	sld [smem:$0x3FB0]  }
0x28: {  	s2 =	sld [smem:$0x3FB1]  }
0x29: {  	s4 =	sld [smem:$0x3FB3]  }
0x2a: {  	p0 =	seq.s32 s5, $0x0;
	s5 =	sld [smem:$0x3FB4]  }
0x2b: {  	s6 =	sld [smem:$0x3FB5]  }
0x2c: {  	s7 =	sld [smem:$0x3FB6]  }
0x2d: {  	s3 =	simm.s32 $0x108;
	s8 =	sld [smem:$0x3FB7]  }
0x2e: {  	s3 =	simm.s32 @!p0 $0x1082;
	s9 =	sld [smem:$0x3FB8]  }
0x2f: {  	lr =	sadd.s32 s0, s3;
	s0 =	sld [smem:$0x3FAF]  }
0x30: {  	s3 =	sld [smem:$0x3FB2]  }
0x31: {  	[smem:$0x3FBB] =	sst s10  }
0x32: {  	s10 =	sld [smem:$0x3FB9];
	_ =	sdelay $0x3  }
0x33: {  	p0 =	seq.s32 s10, $0x1;
	s10 =	sld [smem:$0x3FBB];
	_ =	sdelay $0x3  }
0x34: {  	[smem:$0x3FBB] =	sst s10  }
0x35: {  	s10 =	sld [smem:$0x3FBA];
	_ =	sdelay $0x3  }
0x36: {  	p1 =	seq.s32 s10, $0x1;
	s10 =	sld [smem:$0x3FBB];
	_ =	sdelay $0x3  }
0x37: {  	[smem:$0x3FBB] =	sst s10  }
0x38: {  	s10 =	sld [smem:$0x3FBC]  }
0x39: {  	_ = 	snop;
	(pc) =	sbr.ind lr, $3  }
0x3a: {  	_ = 	snop  }
0x3b: {  	_ = 	snop  }
0x3c: {  	p2 =	seq.s32 s10, $0x1;
	s10 =	sld [smem:$0x3FBB]  }
0x3d: {  	_ =	shalt  }
0x3e: {  	_ =	shalt  }
0x3f: {  	_ =	shalt  }
0x40: {  	_ =	shalt  }
0x41: {  	_ =	shalt  }
0x42: {  	_ =	shalt  }
0x43: {  	_ =	shalt  }
0x44: {  	_ =	shalt  }
0x45: {  	_ =	shalt  }
0x46: {  	_ =	shalt  }
0x47: {  	_ =	shalt  }
0x48: {  	_ =	shalt  }
0x49: {  	_ =	shalt  }
0x4a: {  	_ =	shalt  }
0x4b: {  	_ =	shalt  }
0x4c: {  	_ =	shalt  }
0x4d: {  	_ =	shalt  }
0x4e: {  	_ =	shalt  }
0x4f: {  	_ =	shalt  }
0x50: {  	_ =	shalt  }
0x51: {  	_ =	shalt  }
0x52: {  	_ =	shalt  }
0x53: {  	_ =	shalt  }
0x54: {  	_ =	shalt  }
0x55: {  	_ =	shalt  }
0x56: {  	_ =	shalt  }
0x57: {  	_ =	shalt  }
0x58: {  	_ =	shalt  }
0x59: {  	_ =	shalt  }
0x5a: {  	_ =	shalt  }
0x5b: {  	_ =	shalt  }
0x5c: {  	_ =	shalt  }
0x5d: {  	_ =	shalt  }
0x5e: {  	_ =	shalt  }
0x5f: {  	_ =	shalt  }
0x60: {  	_ =	shalt  }
0x61: {  	_ =	shalt  }
0x62: {  	_ =	shalt  }
0x63: {  	_ =	shalt  }
0x64: {  	_ =	shalt  }
0x65: {  	_ =	shalt  }
0x66: {  	_ =	shalt  }
0x67: {  	_ =	shalt  }
0x68: {  	_ =	shalt  }
0x69: {  	_ =	shalt  }
0x6a: {  	_ =	shalt  }
0x6b: {  	_ =	shalt  }
0x6c: {  	_ =	shalt  }
0x6d: {  	_ =	shalt  }
0x6e: {  	_ =	shalt  }
0x6f: {  	_ =	shalt  }
0x70: {  	_ =	shalt  }
0x71: {  	_ =	shalt  }
0x72: {  	_ =	shalt  }
0x73: {  	_ =	shalt  }
0x74: {  	_ =	shalt  }
0x75: {  	_ =	shalt  }
0x76: {  	_ =	shalt  }
0x77: {  	_ =	shalt  }
0x78: {  	_ =	shalt  }
0x79: {  	_ =	shalt  }
0x7a: {  	_ =	shalt  }
0x7b: {  	_ =	shalt  }
0x7c: {  	_ =	shalt  }
0x7d: {  	_ =	shalt  }
0x7e: {  	_ =	shalt  }
0x7f: {  	_ =	shalt  }
0x80: {  	_ =	shalt  }
0x81: {  	_ =	shalt  }
0x82: {  	_ =	shalt  }
0x83: {  	_ =	shalt  }
0x84: {  	_ =	shalt  }
0x85: {  	_ =	shalt  }
0x86: {  	_ =	shalt  }
0x87: {  	_ =	shalt  }
.Lfunc_end0:
.L_simem_size_0:
called_computation_lowered:
.L_overlay_start_0:
0x88: {  	s2 =	sld [smem:$0x3FD9]  }
0x89: {  	s3 =	sld [smem:$0x3FFE];
	_ =	sdelay $0x1  }
0x8a: {  	s1 =	srdreg.scid  }
0x8b: {  	s0 =	sand.u32 $0x1, s1  }
0x8c: {  	s17 =	sshll.u32 s0, $0xA;
	s2 =	sadd.s32 s3, s2  }
0x8d: {  	s2 =	sadd.s32 s2, s17  }
0x8e: {  	[smem:$0x3FC7] =	sst s2  }
0x8f: {  	_ = 	snop  }
0x90: {  	s2 =	sld [smem:$0x3FD0];
	(tm) =	ssettm $0x1  }
0x91: {  	s18 =	sld [smem:$0x3FFB];
	_ =	sdelay $0x3  }
0x92: {  	_ =	strace s18  }
0x93: {  	s3 =	sld [smem:$0x3FFC];
	_ =	sdelay $0x3  }
0x94: {  	_ =	strace s3  }
0x95: {  	s3 =	sld [smem:$0x3FFD];
	_ =	sdelay $0x3  }
0x96: {  	_ =	strace s3  }
0x97: {  	_ =	strace $0x8FFFFFFF  }
0x98: {  	s19 =	sld [smem:$0x3FDB];
	_ =	sdelay $0x1  }
0x99: {  	s4 =	simm.s32 $_scs_section_size  }
0x9a: {  	s5 =	simm.s32 $_size__tile_overlayer_lowered;
	s6 =	simm.s32 $_tile_overlayer_lowered  }
0x9b: {  	s22 =	simm.s32 $0x1BFF;
	s21 =	sshll.u32 s6, $0x1;
	s3 =	sadd.s32 s4, s19  }
0x9c: {  	s7 =	simm.s32 $0x0;
	s20 =	sshll.u32 s5, $0x1;
	s5 =	sadd.s32 s21, s3  }
0x9d: {  	[timem:s7], [sflag:s22] =	dma.local [hbm:s5], s20  }
0x9e: {  	_ =	swait.ge [sflag:s22], s20  }
0x9f: {  	s4 =	ssub.s32 $0x0, s20;
	[sflag:s22] =	ssyncset.done $0x0  }
0xa0: {  	[sflag:s22] =	ssyncadd.s32 s4;
	_ =	sdelay $0x1  }
0xa1: {  	s23 =	simm.s32 $0x1B8B  }
0xa2: {  	_ =	swait.ge [sflag:s23], $0x1  }
0xa3: {  	[sflag:s23] =	ssyncset.done $0x0  }
0xa4: {  	s25 =	simm.s32 $0x1B8E;
	s24 =	sld [smem:$0x3FFE];
	[sflag:s23] =	ssyncadd.s32 $0xFFFFFFFF  }
0xa5: {  	s26 =	simm.s32 $execute0_lowered;
	[smem:$0x3FD2] =	sst s25  }
0xa6: {  	s5 =	sshll.u32 s26, $0x1;
	_ =	strace $0x80000046;
	[dreg:$0x1] =	wrdreg $0xFFFFFFFF  }
0xa7: {  	s28 =	simm.s32 $_size_execute0_lowered;
	s3 =	sadd.s32 s3, s5;
	[dreg:$0x0] =	wrdreg $0x0  }
0xa8: {  	s5 =	sshll.u32 s28, $0x1;
	[dreg:$0x2] =	wrdreg s3  }
0xa9: {  	[dreg:$0x3] =	wrdreg s5  }
0xaa: {  	[dreg:$0x4] =	wrdreg $0xC0  }
0xab: {  	_ =	task [dreg:s7], $0x5FFFF  }
0xac: {  	[dreg:$0x1] =	wrdreg $0xFFFFFFFF  }
0xad: {  	[dreg:$0x0] =	wrdreg $0x60  }
0xae: {  	[dreg:$0x2] =	wrdreg s2  }
0xaf: {  	[dreg:$0x3] =	wrdreg s24  }
0xb0: {  	[dreg:$0x4] =	wrdreg $0x0  }
0xb1: {  	[dreg:$0x5] =	wrdreg $0x9  }
0xb2: {  	_ =	task.clear_ibuf [dreg:s7], $0x6FFFF;
	_ =	strace $0x90000046  }
0xb3: {  	s29 =	simm.s32 $0x9;
	_ =	strace $0x80000048  }
0xb4: {  	_ =	swait.ge [sflag:s29], $0x1  }
0xb5: {  	[sflag:s29] =	ssyncadd.s32 $0xFFFFFFFF  }
0xb6: {  	_ =	strace $0x90000048  }
0xb7: {  	_ =	sfence  }
0xb8: {  	s30 =	sld [smem:$0x0];
	_ =	sdelay $0x2  }
0xb9: {  	s31 =	sshll.u32 s1, $0xD;
	s1 =	sshrl.u32 s1, $0x2  }
0xba: {  	s3 =	sand.u32 $0x4000, s31;
	s1 =	sadd.s32 s1, s30  }
0xbb: {  	s0 =	sor.u32 s3, s0;
	s1 =	sshll.u32 s1, $0x11  }
0xbc: {  	s0 =	sor.u32 s1, s0  }
0xbd: {  	s0 =	sadd.s32 $0x8F2B, s0  }
0xbe: {  	[sflag:s0] =	ssyncadd.remote.s32 $0x1  }
0xbf: {  	_ =	sfence.sel $0xFFFF  }
0xc0: {  	[dreg:$0x0] =	wrdreg $0xFFFFFFFF;
	(pc) =	sbr.abs _section_cstart, $3  }
0xc1: {  	[dreg:$0x1] =	wrdreg $0xFFFFFFFF  }
0xc2: {  	_ =	task.clear_ibuf [dreg:s7], $0x2FFFF;
	_ =	strace $0x9FFFFFFF  }
0xc3: {  	(tm) =	ssettm $0x7FFFFFFF  }
tec
execute0_lowered:
.L_overlay_start_1:
0x0: {  	(tag) =	ssettag $0x1  }
0x1: {  	s0 =	srdreg.scid;
	s12 =	rddreg [dreg:$0x0]  }
0x2: {  	s4 =	stileid.u32;
	s2 =	rddreg [dreg:$0x1]  }
0x3: {  	s5 =	rddreg [dreg:$0x2];
	s6 =	simm.s32 $0x0;
	s1 =	sand.u32 $0x1, s0  }
0x4: {  	p1 =	por $0x0, $0x0;
	s3 =	sshll.u32 s1, $0x6;
	s1 =	ssub.s32 $0x2, s1  }
0x5: {  	s29 =	sshll.u32 s4, $0x7;
	s0 =	rddreg [dreg:$0x3];
	s30 =	sshrl.u32 s1, $0x1  }
0x6: {  	[smem:$0x7FF] =	sst s6;
	s2 =	sadd.s32 $0x400, s2;
	s6 =	ssub.s32 s1, s30  }
0x7: {  	p0 =	sne.s32 s4, $0x0;
	s3 =	sor.u32 s3, s29;
	s6 =	smax.u32 s6, $0x1  }
0x8: {  	s4 =	sshll.u32 s4, $0x6;
	s7 =	smul.u32 $0x19000, s3;
	s16 =	sadd.s32 $0xFFFFFFFF, s6  }
0x9: {  	_ =	strace $0x80000047;
	s3 =	smul.u32 $0x3200, s3;
	p2 =	sne.s32 s16, $0x0  }
.Ltmp0:
0xa: {  	s13 =	sshrl.u32 @!p0 s5, $0x3;
	s7 =	sshrl.u32 s7, $0x3;
	(pc) =	sbr.rel @!p2 .LBB2_3-.Ltmp0, $4  }
0xb: {  	s4 =	sor.u32 $0x1C01, s4;
	s11 =	sadd.s32 s2, s3;
	s31 =	sadd.s32 s2, s7  }
0xc: {  	s6 =	sshrl.u32 s5, $0x3;
	s5 =	simm.s32 $0x1;
	s10 =	sadd.s32 $0x19000, s31  }
0xd: {  	s9 =	sadd.s32 $0x32000, s31;
	s8 =	sadd.s32 $0x4B000, s31;
	s7 =	sadd.s32 $0x64000, s31  }
0xe: {  	s3 =	sadd.s32 $0x7D000, s31;
	s2 =	sadd.s32 $0x96000, s31;
	s1 =	sadd.s32 $0xAF000, s31  }
0xf: {  	s14 =	simm.s32 @!p0 $0x1C02;
	s15 =	simm.s32 @!p0 $0x2  }
0x10: {  	[spmem:s13], [sflag:s14] =	dma.local @!p0 [hbm:s12], $0x19000  }
0x11: {  	_ =	swait.ge @!p0 [sflag:s15], $0x19000  }
0x12: {  	[sflag:s15] =	ssyncset.done @!p0 $0x0  }
0x13: {  	[sflag:s15] =	ssyncadd.s32 @!p0 $0xFFFE7000  }
0x14: {  	[bflag:$0x0] =	sbarrier.arrive $0xFFFF  }
0x15: {  	[hbm:s11], [sflag:s4] =	dma.local [spmem:s6], $0x19000  }
0x16: {  	[hbm:s11], [sflag:s4] =	dma.local [spmem:s6], $0x19000  }
0x17: {  	[hbm:s10], [sflag:s4] =	dma.local [spmem:s6], $0x19000  }
0x18: {  	[hbm:s10], [sflag:s4] =	dma.local [spmem:s6], $0x19000  }
0x19: {  	[hbm:s9], [sflag:s4] =	dma.local [spmem:s6], $0x19000  }
0x1a: {  	[hbm:s9], [sflag:s4] =	dma.local [spmem:s6], $0x19000  }
0x1b: {  	[hbm:s8], [sflag:s4] =	dma.local [spmem:s6], $0x19000  }
0x1c: {  	[hbm:s8], [sflag:s4] =	dma.local [spmem:s6], $0x19000  }
0x1d: {  	[hbm:s7], [sflag:s4] =	dma.local [spmem:s6], $0x19000  }
0x1e: {  	[hbm:s7], [sflag:s4] =	dma.local [spmem:s6], $0x19000  }
0x1f: {  	[hbm:s3], [sflag:s4] =	dma.local [spmem:s6], $0x19000  }
0x20: {  	[hbm:s3], [sflag:s4] =	dma.local [spmem:s6], $0x19000  }
0x21: {  	[hbm:s2], [sflag:s4] =	dma.local [spmem:s6], $0x19000  }
0x22: {  	[hbm:s2], [sflag:s4] =	dma.local [spmem:s6], $0x19000  }
0x23: {  	[hbm:s1], [sflag:s4] =	dma.local [spmem:s6], $0x19000  }
0x24: {  	[hbm:s1], [sflag:s4] =	dma.local [spmem:s6], $0x19000  }
0x25: {  	[hbm:s11], [sflag:s4] =	dma.local [spmem:s6], $0x19000  }
0x26: {  	_ =	swait.ge [sflag:s5], $0x19000  }
0x27: {  	[sflag:s5] =	ssyncset.done $0x0  }
0x28: {  	[sflag:s5] =	ssyncadd.s32 $0xFFFE7000  }
0x29: {  	[hbm:s10], [sflag:s4] =	dma.local [spmem:s6], $0x19000  }
0x2a: {  	_ =	swait.ge [sflag:s5], $0x19000  }
0x2b: {  	[sflag:s5] =	ssyncset.done $0x0  }
0x2c: {  	[sflag:s5] =	ssyncadd.s32 $0xFFFE7000  }
0x2d: {  	[hbm:s9], [sflag:s4] =	dma.local [spmem:s6], $0x19000  }
0x2e: {  	_ =	swait.ge [sflag:s5], $0x19000  }
0x2f: {  	[sflag:s5] =	ssyncset.done $0x0  }
0x30: {  	[sflag:s5] =	ssyncadd.s32 $0xFFFE7000  }
0x31: {  	[hbm:s8], [sflag:s4] =	dma.local [spmem:s6], $0x19000  }
0x32: {  	_ =	swait.ge [sflag:s5], $0x19000  }
0x33: {  	[sflag:s5] =	ssyncset.done $0x0  }
0x34: {  	[sflag:s5] =	ssyncadd.s32 $0xFFFE7000  }
0x35: {  	[hbm:s7], [sflag:s4] =	dma.local [spmem:s6], $0x19000  }
0x36: {  	_ =	swait.ge [sflag:s5], $0x19000  }
0x37: {  	[sflag:s5] =	ssyncset.done $0x0  }
0x38: {  	[sflag:s5] =	ssyncadd.s32 $0xFFFE7000  }
0x39: {  	[hbm:s3], [sflag:s4] =	dma.local [spmem:s6], $0x19000  }
0x3a: {  	_ =	swait.ge [sflag:s5], $0x19000  }
0x3b: {  	[sflag:s5] =	ssyncset.done $0x0  }
0x3c: {  	s16 =	sadd.s32 $0xFFFFFFFF, s16;
	[sflag:s5] =	ssyncadd.s32 $0xFFFE7000  }
0x3d: {  	[hbm:s2], [sflag:s4] =	dma.local [spmem:s6], $0x19000  }
0x3e: {  	p2 =	sne.s32 s16, $0x0;
	_ =	swait.ge [sflag:s5], $0x19000  }
.Ltmp1:
0x3f: {  	[sflag:s5] =	ssyncset.done $0x0;
	(pc) =	sbr.rel @!p2 .LBB2_3-.Ltmp1, $4  }
0x40: {  	[sflag:s5] =	ssyncadd.s32 $0xFFFE7000  }
0x41: {  	[hbm:s1], [sflag:s4] =	dma.local [spmem:s6], $0x19000  }
0x42: {  	_ =	swait.ge [sflag:s5], $0x19000  }
0x43: {  	p1 =	por $0x1, $0x1;
	[sflag:s5] =	ssyncset.done $0x0  }
.LBB2_2:
0x44: {  	[sflag:s5] =	ssyncadd.s32 $0xFFFE7000  }
0x45: {  	[spmem:s13], [sflag:s14] =	dma.local @!p0 [hbm:s12], $0x19000  }
0x46: {  	s16 =	sadd.s32 $0xFFFFFFFF, s16;
	_ =	swait.ge @!p0 [sflag:s15], $0x19000  }
0x47: {  	p2 =	sne.s32 s16, $0x0;
	[sflag:s15] =	ssyncset.done @!p0 $0x0  }
0x48: {  	[sflag:s15] =	ssyncadd.s32 @!p0 $0xFFFE7000  }
0x49: {  	[bflag:$0x0] =	sbarrier.arrive $0xFFFF  }
0x4a: {  	[hbm:s11], [sflag:s4] =	dma.local [spmem:s6], $0x19000  }
0x4b: {  	[hbm:s11], [sflag:s4] =	dma.local [spmem:s6], $0x19000  }
0x4c: {  	[hbm:s10], [sflag:s4] =	dma.local [spmem:s6], $0x19000  }
0x4d: {  	[hbm:s10], [sflag:s4] =	dma.local [spmem:s6], $0x19000  }
0x4e: {  	[hbm:s9], [sflag:s4] =	dma.local [spmem:s6], $0x19000  }
0x4f: {  	[hbm:s9], [sflag:s4] =	dma.local [spmem:s6], $0x19000  }
0x50: {  	[hbm:s8], [sflag:s4] =	dma.local [spmem:s6], $0x19000  }
0x51: {  	[hbm:s8], [sflag:s4] =	dma.local [spmem:s6], $0x19000  }
0x52: {  	[hbm:s7], [sflag:s4] =	dma.local [spmem:s6], $0x19000  }
0x53: {  	[hbm:s7], [sflag:s4] =	dma.local [spmem:s6], $0x19000  }
0x54: {  	[hbm:s3], [sflag:s4] =	dma.local [spmem:s6], $0x19000  }
0x55: {  	[hbm:s3], [sflag:s4] =	dma.local [spmem:s6], $0x19000  }
0x56: {  	[hbm:s2], [sflag:s4] =	dma.local [spmem:s6], $0x19000  }
0x57: {  	[hbm:s2], [sflag:s4] =	dma.local [spmem:s6], $0x19000  }
0x58: {  	[hbm:s1], [sflag:s4] =	dma.local [spmem:s6], $0x19000  }
0x59: {  	[hbm:s1], [sflag:s4] =	dma.local [spmem:s6], $0x19000  }
0x5a: {  	[hbm:s11], [sflag:s4] =	dma.local [spmem:s6], $0x19000  }
0x5b: {  	_ =	swait.ge [sflag:s5], $0x19000  }
0x5c: {  	[sflag:s5] =	ssyncset.done $0x0  }
0x5d: {  	[sflag:s5] =	ssyncadd.s32 $0xFFFE7000  }
0x5e: {  	[hbm:s10], [sflag:s4] =	dma.local [spmem:s6], $0x19000  }
0x5f: {  	_ =	swait.ge [sflag:s5], $0x19000  }
0x60: {  	[sflag:s5] =	ssyncset.done $0x0  }
0x61: {  	[sflag:s5] =	ssyncadd.s32 $0xFFFE7000  }
0x62: {  	[hbm:s9], [sflag:s4] =	dma.local [spmem:s6], $0x19000  }
0x63: {  	_ =	swait.ge [sflag:s5], $0x19000  }
0x64: {  	[sflag:s5] =	ssyncset.done $0x0  }
0x65: {  	[sflag:s5] =	ssyncadd.s32 $0xFFFE7000  }
0x66: {  	[hbm:s8], [sflag:s4] =	dma.local [spmem:s6], $0x19000  }
0x67: {  	_ =	swait.ge [sflag:s5], $0x19000  }
0x68: {  	[sflag:s5] =	ssyncset.done $0x0  }
0x69: {  	[sflag:s5] =	ssyncadd.s32 $0xFFFE7000  }
0x6a: {  	[hbm:s7], [sflag:s4] =	dma.local [spmem:s6], $0x19000  }
0x6b: {  	_ =	swait.ge [sflag:s5], $0x19000  }
0x6c: {  	[sflag:s5] =	ssyncset.done $0x0  }
0x6d: {  	[sflag:s5] =	ssyncadd.s32 $0xFFFE7000  }
0x6e: {  	[hbm:s3], [sflag:s4] =	dma.local [spmem:s6], $0x19000  }
0x6f: {  	_ =	swait.ge [sflag:s5], $0x19000  }
0x70: {  	[sflag:s5] =	ssyncset.done $0x0  }
0x71: {  	[sflag:s5] =	ssyncadd.s32 $0xFFFE7000  }
0x72: {  	[hbm:s2], [sflag:s4] =	dma.local [spmem:s6], $0x19000  }
0x73: {  	_ =	swait.ge [sflag:s5], $0x19000  }
.Ltmp2:
0x74: {  	[sflag:s5] =	ssyncset.done $0x0;
	(pc) =	sbr.rel @p2 .LBB2_2-.Ltmp2, $4  }
0x75: {  	[sflag:s5] =	ssyncadd.s32 $0xFFFE7000  }
0x76: {  	[hbm:s1], [sflag:s4] =	dma.local [spmem:s6], $0x19000  }
0x77: {  	_ =	swait.ge [sflag:s5], $0x19000  }
0x78: {  	[sflag:s5] =	ssyncset.done $0x0  }
.LBB2_3:
0x79: {  	s14 =	simm.s32 @!p0 $0x1C02;
	s15 =	simm.s32 @!p0 $0x2;
	[sflag:s5] =	ssyncadd.s32 @p1 $0xFFFE7000  }
0x7a: {  	[spmem:s13], [sflag:s14] =	dma.local @!p0 [hbm:s12], $0x19000  }
0x7b: {  	_ =	swait.ge @!p0 [sflag:s15], $0x19000  }
0x7c: {  	[sflag:s15] =	ssyncset.done @!p0 $0x0  }
0x7d: {  	[sflag:s15] =	ssyncadd.s32 @!p0 $0xFFFE7000  }
0x7e: {  	[bflag:$0x0] =	sbarrier.arrive $0xFFFF  }
0x7f: {  	[hbm:s11], [sflag:s4] =	dma.local [spmem:s6], $0x19000  }
0x80: {  	[hbm:s11], [sflag:s4] =	dma.local [spmem:s6], $0x19000  }
0x81: {  	[hbm:s10], [sflag:s4] =	dma.local [spmem:s6], $0x19000  }
0x82: {  	[hbm:s10], [sflag:s4] =	dma.local [spmem:s6], $0x19000  }
0x83: {  	[hbm:s9], [sflag:s4] =	dma.local [spmem:s6], $0x19000  }
0x84: {  	[hbm:s9], [sflag:s4] =	dma.local [spmem:s6], $0x19000  }
0x85: {  	[hbm:s8], [sflag:s4] =	dma.local [spmem:s6], $0x19000  }
0x86: {  	[hbm:s8], [sflag:s4] =	dma.local [spmem:s6], $0x19000  }
0x87: {  	[hbm:s7], [sflag:s4] =	dma.local [spmem:s6], $0x19000  }
0x88: {  	[hbm:s7], [sflag:s4] =	dma.local [spmem:s6], $0x19000  }
0x89: {  	[hbm:s3], [sflag:s4] =	dma.local [spmem:s6], $0x19000  }
0x8a: {  	[hbm:s3], [sflag:s4] =	dma.local [spmem:s6], $0x19000  }
0x8b: {  	[hbm:s2], [sflag:s4] =	dma.local [spmem:s6], $0x19000  }
0x8c: {  	[hbm:s2], [sflag:s4] =	dma.local [spmem:s6], $0x19000  }
0x8d: {  	[hbm:s1], [sflag:s4] =	dma.local [spmem:s6], $0x19000  }
0x8e: {  	[hbm:s1], [sflag:s4] =	dma.local [spmem:s6], $0x19000  }
0x8f: {  	[hbm:s11], [sflag:s4] =	dma.local [spmem:s6], $0x19000  }
0x90: {  	_ =	swait.ge [sflag:s5], $0x19000  }
0x91: {  	[sflag:s5] =	ssyncset.done $0x0  }
0x92: {  	[sflag:s5] =	ssyncadd.s32 $0xFFFE7000  }
0x93: {  	[hbm:s10], [sflag:s4] =	dma.local [spmem:s6], $0x19000  }
0x94: {  	_ =	swait.ge [sflag:s5], $0x19000  }
0x95: {  	[sflag:s5] =	ssyncset.done $0x0  }
0x96: {  	[sflag:s5] =	ssyncadd.s32 $0xFFFE7000  }
0x97: {  	[hbm:s9], [sflag:s4] =	dma.local [spmem:s6], $0x19000  }
0x98: {  	_ =	swait.ge [sflag:s5], $0x19000  }
0x99: {  	[sflag:s5] =	ssyncset.done $0x0  }
0x9a: {  	[sflag:s5] =	ssyncadd.s32 $0xFFFE7000  }
0x9b: {  	[hbm:s8], [sflag:s4] =	dma.local [spmem:s6], $0x19000  }
0x9c: {  	_ =	swait.ge [sflag:s5], $0x19000  }
0x9d: {  	[sflag:s5] =	ssyncset.done $0x0  }
0x9e: {  	[sflag:s5] =	ssyncadd.s32 $0xFFFE7000  }
0x9f: {  	[hbm:s7], [sflag:s4] =	dma.local [spmem:s6], $0x19000  }
0xa0: {  	_ =	swait.ge [sflag:s5], $0x19000  }
0xa1: {  	[sflag:s5] =	ssyncset.done $0x0  }
0xa2: {  	[sflag:s5] =	ssyncadd.s32 $0xFFFE7000  }
0xa3: {  	[hbm:s3], [sflag:s4] =	dma.local [spmem:s6], $0x19000  }
0xa4: {  	_ =	swait.ge [sflag:s5], $0x19000  }
0xa5: {  	[sflag:s5] =	ssyncset.done $0x0  }
0xa6: {  	[sflag:s5] =	ssyncadd.s32 $0xFFFE7000  }
0xa7: {  	[hbm:s2], [sflag:s4] =	dma.local [spmem:s6], $0x19000  }
0xa8: {  	_ =	swait.ge [sflag:s5], $0x19000  }
0xa9: {  	[sflag:s5] =	ssyncset.done $0x0  }
0xaa: {  	[sflag:s5] =	ssyncadd.s32 $0xFFFE7000  }
0xab: {  	[hbm:s1], [sflag:s4] =	dma.local [spmem:s6], $0x19000  }
0xac: {  	_ =	swait.ge [sflag:s5], $0x19000  }
0xad: {  	[sflag:s5] =	ssyncset.done $0x0  }
0xae: {  	[sflag:s5] =	ssyncadd.s32 $0xFFFE7000  }
0xaf: {  	_ =	sfence.sel $0x180000  }
0xb0: {  	[bflag:$0x0] =	sbarrier.arrive $0xFFFF  }
0xb1: {  	_ =	strace $0x90000047  }
0xb2: {  	s0 =	sadd.s32 @!p0 $0x100000, s0;
	[bflag:$0x2] =	sbarrier.arrive $0xFFFF  }
0xb3: {  	[sflag:s0] =	ssyncadd.tile.s32 @!p0 $0x1;
	_ =	shalt  }
.Lfunc_end2:
_tile_overlayer_lowered:
.L_overlay_start_2:
0xb4: {  	(tag) =	ssettag $0x2  }
0xb5: {  	s0 =	rddreg [dreg:$0x0];
	s2 =	stileid.u32  }
0xb6: {  	s1 =	rddreg [dreg:$0x1];
	p0 =	sne.s32 s2, $0x0  }
0xb7: {  	s3 =	rddreg [dreg:$0x2];
	[bflag:$0x3] =	sbarrier.arrive $0xFFFF;
	s2 =	simm.s32 @!p0 $0x1C02  }
0xb8: {  	[timem:s3], [sflag:s2] =	dma.local @!p0 [hbm:s0], s1  }
0xb9: {  	s0 =	simm.s32 @!p0 $0x2  }
0xba: {  	_ =	swait.ge @!p0 [sflag:s0], s1  }
0xbb: {  	s1 =	ssub.s32 @!p0 $0x0, s1;
	[sflag:s0] =	ssyncset.done @!p0 $0x0  }
0xbc: {  	[sflag:s0] =	ssyncadd.s32 @!p0 s1  }
0xbd: {  	[bflag:$0x3] =	sbarrier.arrive $0xFFFF  }
0xbe: {  	_ =	shalt  }

</sc_bundles>
